<compile_context>
chip_gen: v7x
topology: tpu7x:2x2x1
jax: 0.10.2.dev20260603
libtpu: 0.0.44.dev20260713+nightly
codegen_flags: <defaults>
</compile_context>

<pallas_src>
import functools

import jax
import jax.numpy as jnp
from jax import lax
from jax.experimental import pallas as pl
from jax.experimental.pallas import tpu as pltpu
from jax.experimental.pallas import tpu_sc as plsc


_SB = 80
_NW = 32
_BR = 200


@functools.lru_cache(maxsize=None)
def _make_scatter(N: int, M: int, D: int):
  assert M == 5000 and D % 16 == 0
  n_full = M // _SB
  tail = M - n_full * _SB
  tail_off = n_full * _SB

  mesh = plsc.VectorSubcoreMesh(core_axis_name="c", subcore_axis_name="s")

  @functools.partial(
      pl.kernel,
      mesh=mesh,
      out_type=(),
      scratch_types=[
          pltpu.VMEM((_SB,), jnp.int32),
          pltpu.VMEM((_SB,), jnp.int32),
          pltpu.VMEM((2 * _SB, D), jnp.float32),
          pltpu.VMEM((tail,), jnp.int32),
          pltpu.VMEM((tail, D), jnp.float32),
          pltpu.SemaphoreType.DMA,
          pltpu.SemaphoreType.DMA,
      ],
  )
  def scatter(x_hbm, idx_hbm, out_hbm,
              idx_a, idx_b, x_v, idx_t, x_t, lsem, ssem):
    wid = lax.axis_index("c") * 16 + lax.axis_index("s")
    b0 = wid * 2
    b1 = wid * 2 + 1

    @pl.when(b0 < n_full)
    def _():
      pltpu.async_copy(idx_hbm.at[pl.ds(b0 * _SB, _SB)], idx_a, lsem)
      pltpu.async_copy(idx_hbm.at[pl.ds(b1 * _SB, _SB)], idx_b, lsem)
      pltpu.async_copy(x_hbm.at[pl.ds(b0 * _SB, 2 * _SB)], x_v, lsem)
      pltpu.make_async_copy(
          idx_hbm.at[pl.ds(b0 * _SB, _SB)], idx_a, lsem).wait()
      pltpu.make_async_copy(
          idx_hbm.at[pl.ds(b1 * _SB, _SB)], idx_b, lsem).wait()
      pltpu.make_async_copy(
          x_hbm.at[pl.ds(b0 * _SB, 2 * _SB)], x_v, lsem).wait()
      pltpu.async_copy(x_v.at[pl.ds(0, _SB)], out_hbm.at[idx_a], ssem)
      pltpu.async_copy(x_v.at[pl.ds(_SB, _SB)], out_hbm.at[idx_b], ssem)
      pltpu.make_async_copy(
          x_v.at[pl.ds(0, _SB)], out_hbm.at[idx_a], ssem).wait()
      pltpu.make_async_copy(
          x_v.at[pl.ds(_SB, _SB)], out_hbm.at[idx_b], ssem).wait()

    @pl.when(wid == _NW - 1)
    def _():
      pltpu.async_copy(idx_hbm.at[pl.ds(tail_off, tail)], idx_t, lsem)
      pltpu.async_copy(x_hbm.at[pl.ds(tail_off, tail)], x_t, lsem)
      pltpu.make_async_copy(
          idx_hbm.at[pl.ds(tail_off, tail)], idx_t, lsem).wait()
      pltpu.make_async_copy(
          x_hbm.at[pl.ds(tail_off, tail)], x_t, lsem).wait()
      pltpu.async_copy(x_t, out_hbm.at[idx_t], ssem).wait()

  return scatter


@functools.lru_cache(maxsize=None)
def _make_copy(N: int, K: int):
  assert N % _BR == 0 and _BR % 8 == 0
  grid = N // _BR

  def body(a_ref, aout_ref):
    aout_ref[...] = a_ref[...]

  return pl.pallas_call(
      body,
      grid=(grid,),
      in_specs=[pl.BlockSpec((_BR, K), lambda i: (i, 0))],
      out_specs=pl.BlockSpec((_BR, K), lambda i: (i, 0)),
      out_shape=jax.ShapeDtypeStruct((N, K), jnp.float32),
  )


@functools.lru_cache(maxsize=None)
def _make_zero(N: int, D: int):
  zr = 1000

  def body(z_ref):
    z_ref[...] = jnp.zeros_like(z_ref)

  return pl.pallas_call(
      body,
      grid=(N // zr,),
      out_specs=pl.BlockSpec((zr, D), lambda i: (i, 0)),
      out_shape=jax.ShapeDtypeStruct((N, D), jnp.float32),
  )


def kernel(A, X, idx):
  M, D = X.shape
  N = A.shape[0]
  A_out = _make_copy(N, A.shape[1])(A)
  zref = jax.new_ref(_make_zero(N, D)())
  _make_scatter(N, M, D)(X, idx.astype(jnp.int32), zref)
  return (A_out, zref[...])

# --- scband reference (transcript-rebuilt; emitter-appended) ---
"""Pipeline reference for scband-graph-unpool-4191888081052 (READ-ONLY COPY).

The authoritative reference and input builder live on the scoring server;
editing this copy changes nothing except your own understanding.
"""

import jax, jax.numpy as jnp
import numpy as np

N = 10000
M = 5000
D = 256

def setup_inputs(seed: int = 0) -> dict:
    key = jax.random.key(seed)
    kA, kX = jax.random.split(key, 2)
    A = jax.random.normal(kA, (N, N), dtype=jnp.float32)
    X = jax.random.normal(kX, (M, D), dtype=jnp.float32)
    # idx: unique pooled-node indices (values < N), as produced by a GraphPool top-k stage
    idx = jnp.arange(M, dtype=jnp.int64 if jax.config.jax_enable_x64 else jnp.int32)
    return {"A": A, "X": X, "idx": idx}

def reference(A, X, idx):
    # new_X = torch.zeros([A.shape[0], X.shape[1]]); new_X[idx] = X
    new_X = jnp.zeros((A.shape[0], X.shape[1]), dtype=X.dtype)
    new_X = new_X.at[idx].set(X)
    return (A, new_X)

if __name__ == "__main__":
    import jax
    _d = setup_inputs()
    print(jax.jit(kernel)(*tuple(_d.values())))

</pallas_src>

<mosaic_0001>
#map = affine_map<(d0, d1) -> (0, 0)>
#map1 = affine_map<(d0, d1) -> (0)>
module attributes {stable_mosaic.version = 14 : i64} {
  func.func @new_body(%arg0: i32, %arg1: i32, %arg2: memref<5000x256xf32, #tpu.memory_space<hbm>>, %arg3: memref<5000xi32, #tpu.memory_space<hbm>>, %arg4: memref<10000x256xf32, #tpu.memory_space<hbm>>, %arg5: memref<10000x256xf32, #tpu.memory_space<hbm>>, %arg6: memref<80xi32, #tpu.memory_space<vmem>>, %arg7: memref<80xi32, #tpu.memory_space<vmem>>, %arg8: memref<160x256xf32, #tpu.memory_space<vmem>>, %arg9: memref<40xi32, #tpu.memory_space<vmem>>, %arg10: memref<40x256xf32, #tpu.memory_space<vmem>>, %arg11: memref<!tpu.dma_semaphore, #tpu.memory_space<semaphore_mem>>, %arg12: memref<!tpu.dma_semaphore, #tpu.memory_space<semaphore_mem>>) attributes {dimension_semantics = [#tpu.dimension_semantics<core_parallel>, #tpu.dimension_semantics<subcore_parallel>], iteration_bounds = array<i64: 2, 16>, scalar_prefetch = 0 : i64, scratch_operands = 7 : i64, tpu.core_type = #tpu.core_type<sc_vector_subcore>, window_params = [{transform_indices = #map}, {transform_indices = #map1}, {transform_indices = #map}, {transform_indices = #map}]} {
    %mul3A = arith.constant 16 : i32
    %mul3A_0 = arith.muli %arg0, %mul3A : i32
    %add3A = arith.addi %mul3A_0, %arg1 : i32
    %mul3A_1 = arith.constant 2 : i32
    %mul3A_2 = arith.muli %add3A, %mul3A_1 : i32
    %mul3A_3 = arith.constant 2 : i32
    %mul3A_4 = arith.muli %add3A, %mul3A_3 : i32
    %add3A_5 = arith.constant 1 : i32
    %add3A_6 = arith.addi %mul3A_4, %add3A_5 : i32
    %lt3A = arith.constant 62 : i32
    %lt3A_7 = arith.cmpi slt, %mul3A_2, %lt3A : i32
    %convert_element_type3A = arith.extui %lt3A_7 : i1 to i32
    %cond3A = arith.constant 0 : i32
    %cond3A_8 = arith.cmpi ne, %convert_element_type3A, %cond3A : i32
    scf.if %cond3A_8 {
      %mul3A_13 = arith.constant 80 : i32
      %mul3A_14 = arith.muli %mul3A_2, %mul3A_13 : i32
      %dma_start3A = tpu.memref_slice %arg3[%mul3A_14] : memref<5000xi32, #tpu.memory_space<hbm>> -> memref<80xi32, #tpu.memory_space<hbm>>
      %dma_start3A_15 = tpu.memref_slice %arg3[%mul3A_14] : memref<5000xi32, #tpu.memory_space<hbm>> -> memref<80xi32, #tpu.memory_space<hbm>>
      tpu.enqueue_dma source(%dma_start3A_15 : memref<80xi32, #tpu.memory_space<hbm>>) target(%arg6 : memref<80xi32, #tpu.memory_space<vmem>>) target_semaphore(%arg11 : memref<!tpu.dma_semaphore, #tpu.memory_space<semaphore_mem>>)
      %mul3A_16 = arith.constant 80 : i32
      %mul3A_17 = arith.muli %add3A_6, %mul3A_16 : i32
      %dma_start3A_18 = tpu.memref_slice %arg3[%mul3A_17] : memref<5000xi32, #tpu.memory_space<hbm>> -> memref<80xi32, #tpu.memory_space<hbm>>
      %dma_start3A_19 = tpu.memref_slice %arg3[%mul3A_17] : memref<5000xi32, #tpu.memory_space<hbm>> -> memref<80xi32, #tpu.memory_space<hbm>>
      tpu.enqueue_dma source(%dma_start3A_19 : memref<80xi32, #tpu.memory_space<hbm>>) target(%arg7 : memref<80xi32, #tpu.memory_space<vmem>>) target_semaphore(%arg11 : memref<!tpu.dma_semaphore, #tpu.memory_space<semaphore_mem>>)
      %mul3A_20 = arith.constant 80 : i32
      %mul3A_21 = arith.muli %mul3A_2, %mul3A_20 : i32
      %dma_start3A_22 = arith.constant 0 : i32
      %dma_start3A_23 = tpu.memref_slice %arg2[%mul3A_21, %dma_start3A_22] : memref<5000x256xf32, #tpu.memory_space<hbm>> -> memref<160x256xf32, #tpu.memory_space<hbm>>
      %dma_start3A_24 = arith.constant 0 : i32
      %dma_start3A_25 = tpu.memref_slice %arg2[%mul3A_21, %dma_start3A_24] : memref<5000x256xf32, #tpu.memory_space<hbm>> -> memref<160x256xf32, #tpu.memory_space<hbm>>
      tpu.enqueue_dma source(%dma_start3A_25 : memref<160x256xf32, #tpu.memory_space<hbm>>) target(%arg8 : memref<160x256xf32, #tpu.memory_space<vmem>>) target_semaphore(%arg11 : memref<!tpu.dma_semaphore, #tpu.memory_space<semaphore_mem>>)
      %mul3A_26 = arith.constant 80 : i32
      %mul3A_27 = arith.muli %mul3A_2, %mul3A_26 : i32
      %dma_wait3A = tpu.memref_slice %arg3[%mul3A_27] : memref<5000xi32, #tpu.memory_space<hbm>> -> memref<80xi32, #tpu.memory_space<hbm>>
      %dma_wait3A_28 = tpu.memref_slice %arg3[%mul3A_27] : memref<5000xi32, #tpu.memory_space<hbm>> -> memref<80xi32, #tpu.memory_space<hbm>>
      tpu.wait_dma2 semaphore(%arg11 : memref<!tpu.dma_semaphore, #tpu.memory_space<semaphore_mem>>) src(%dma_wait3A_28 : memref<80xi32, #tpu.memory_space<hbm>>) dst(%arg6 : memref<80xi32, #tpu.memory_space<vmem>>)
      %mul3A_29 = arith.constant 80 : i32
      %mul3A_30 = arith.muli %add3A_6, %mul3A_29 : i32
      %dma_wait3A_31 = tpu.memref_slice %arg3[%mul3A_30] : memref<5000xi32, #tpu.memory_space<hbm>> -> memref<80xi32, #tpu.memory_space<hbm>>
      %dma_wait3A_32 = tpu.memref_slice %arg3[%mul3A_30] : memref<5000xi32, #tpu.memory_space<hbm>> -> memref<80xi32, #tpu.memory_space<hbm>>
      tpu.wait_dma2 semaphore(%arg11 : memref<!tpu.dma_semaphore, #tpu.memory_space<semaphore_mem>>) src(%dma_wait3A_32 : memref<80xi32, #tpu.memory_space<hbm>>) dst(%arg7 : memref<80xi32, #tpu.memory_space<vmem>>)
      %mul3A_33 = arith.constant 80 : i32
      %mul3A_34 = arith.muli %mul3A_2, %mul3A_33 : i32
      %dma_wait3A_35 = arith.constant 0 : i32
      %dma_wait3A_36 = tpu.memref_slice %arg2[%mul3A_34, %dma_wait3A_35] : memref<5000x256xf32, #tpu.memory_space<hbm>> -> memref<160x256xf32, #tpu.memory_space<hbm>>
      %dma_wait3A_37 = arith.constant 0 : i32
      %dma_wait3A_38 = tpu.memref_slice %arg2[%mul3A_34, %dma_wait3A_37] : memref<5000x256xf32, #tpu.memory_space<hbm>> -> memref<160x256xf32, #tpu.memory_space<hbm>>
      tpu.wait_dma2 semaphore(%arg11 : memref<!tpu.dma_semaphore, #tpu.memory_space<semaphore_mem>>) src(%dma_wait3A_38 : memref<160x256xf32, #tpu.memory_space<hbm>>) dst(%arg8 : memref<160x256xf32, #tpu.memory_space<vmem>>)
      %dma_start3A_39 = arith.constant 0 : i32
      %dma_start3A_40 = arith.constant 0 : i32
      %dma_start3A_41 = tpu.memref_slice %arg8[%dma_start3A_39, %dma_start3A_40] : memref<160x256xf32, #tpu.memory_space<vmem>> -> memref<80x256xf32, #tpu.memory_space<vmem>>
      %dma_start3A_42 = arith.constant 0 : i32
      %dma_start3A_43 = arith.constant 0 : i32
      %dma_start3A_44 = tpu.memref_slice %arg4[%dma_start3A_42, %dma_start3A_43] : memref<10000x256xf32, #tpu.memory_space<hbm>> -> memref<10000x256xf32, #tpu.memory_space<hbm>>
      tpu.enqueue_indirect_dma source(%dma_start3A_41 : memref<80x256xf32, #tpu.memory_space<vmem>>) target(%dma_start3A_44 : memref<10000x256xf32, #tpu.memory_space<hbm>>) offsets(%arg6 : memref<80xi32, #tpu.memory_space<vmem>>) semaphore(%arg12 : memref<!tpu.dma_semaphore, #tpu.memory_space<semaphore_mem>>)
      %dma_start3A_45 = arith.constant 80 : i32
      %dma_start3A_46 = arith.constant 0 : i32
      %dma_start3A_47 = tpu.memref_slice %arg8[%dma_start3A_45, %dma_start3A_46] : memref<160x256xf32, #tpu.memory_space<vmem>> -> memref<80x256xf32, #tpu.memory_space<vmem>>
      %dma_start3A_48 = arith.constant 0 : i32
      %dma_start3A_49 = arith.constant 0 : i32
      %dma_start3A_50 = tpu.memref_slice %arg4[%dma_start3A_48, %dma_start3A_49] : memref<10000x256xf32, #tpu.memory_space<hbm>> -> memref<10000x256xf32, #tpu.memory_space<hbm>>
      tpu.enqueue_indirect_dma source(%dma_start3A_47 : memref<80x256xf32, #tpu.memory_space<vmem>>) target(%dma_start3A_50 : memref<10000x256xf32, #tpu.memory_space<hbm>>) offsets(%arg7 : memref<80xi32, #tpu.memory_space<vmem>>) semaphore(%arg12 : memref<!tpu.dma_semaphore, #tpu.memory_space<semaphore_mem>>)
      %dma_wait3A_51 = arith.constant 0 : i32
      %dma_wait3A_52 = arith.constant 0 : i32
      %dma_wait3A_53 = tpu.memref_slice %arg8[%dma_wait3A_51, %dma_wait3A_52] : memref<160x256xf32, #tpu.memory_space<vmem>> -> memref<80x256xf32, #tpu.memory_space<vmem>>
      %dma_wait3A_54 = arith.constant 0 : i32
      %dma_wait3A_55 = arith.constant 0 : i32
      %dma_wait3A_56 = tpu.memref_slice %arg4[%dma_wait3A_54, %dma_wait3A_55] : memref<10000x256xf32, #tpu.memory_space<hbm>> -> memref<10000x256xf32, #tpu.memory_space<hbm>>
      tpu.wait_indirect_dma semaphore(%arg12 : memref<!tpu.dma_semaphore, #tpu.memory_space<semaphore_mem>>) src(%dma_wait3A_53 : memref<80x256xf32, #tpu.memory_space<vmem>>) dst(%dma_wait3A_56 : memref<10000x256xf32, #tpu.memory_space<hbm>>)
      %dma_wait3A_57 = arith.constant 80 : i32
      %dma_wait3A_58 = arith.constant 0 : i32
      %dma_wait3A_59 = tpu.memref_slice %arg8[%dma_wait3A_57, %dma_wait3A_58] : memref<160x256xf32, #tpu.memory_space<vmem>> -> memref<80x256xf32, #tpu.memory_space<vmem>>
      %dma_wait3A_60 = arith.constant 0 : i32
      %dma_wait3A_61 = arith.constant 0 : i32
      %dma_wait3A_62 = tpu.memref_slice %arg4[%dma_wait3A_60, %dma_wait3A_61] : memref<10000x256xf32, #tpu.memory_space<hbm>> -> memref<10000x256xf32, #tpu.memory_space<hbm>>
      tpu.wait_indirect_dma semaphore(%arg12 : memref<!tpu.dma_semaphore, #tpu.memory_space<semaphore_mem>>) src(%dma_wait3A_59 : memref<80x256xf32, #tpu.memory_space<vmem>>) dst(%dma_wait3A_62 : memref<10000x256xf32, #tpu.memory_space<hbm>>)
    } else {
    }
    %eq3A = arith.constant 31 : i32
    %eq3A_9 = arith.cmpi eq, %add3A, %eq3A : i32
    %convert_element_type3A_10 = arith.extui %eq3A_9 : i1 to i32
    %cond3A_11 = arith.constant 0 : i32
    %cond3A_12 = arith.cmpi ne, %convert_element_type3A_10, %cond3A_11 : i32
    scf.if %cond3A_12 {
      %dma_start3A = arith.constant 4960 : i32
      %dma_start3A_13 = tpu.memref_slice %arg3[%dma_start3A] : memref<5000xi32, #tpu.memory_space<hbm>> -> memref<40xi32, #tpu.memory_space<hbm>>
      %dma_start3A_14 = arith.constant 4960 : i32
      %dma_start3A_15 = tpu.memref_slice %arg3[%dma_start3A_14] : memref<5000xi32, #tpu.memory_space<hbm>> -> memref<40xi32, #tpu.memory_space<hbm>>
      tpu.enqueue_dma source(%dma_start3A_15 : memref<40xi32, #tpu.memory_space<hbm>>) target(%arg9 : memref<40xi32, #tpu.memory_space<vmem>>) target_semaphore(%arg11 : memref<!tpu.dma_semaphore, #tpu.memory_space<semaphore_mem>>)
      %dma_start3A_16 = arith.constant 4960 : i32
      %dma_start3A_17 = arith.constant 0 : i32
      %dma_start3A_18 = tpu.memref_slice %arg2[%dma_start3A_16, %dma_start3A_17] : memref<5000x256xf32, #tpu.memory_space<hbm>> -> memref<40x256xf32, #tpu.memory_space<hbm>>
      %dma_start3A_19 = arith.constant 4960 : i32
      %dma_start3A_20 = arith.constant 0 : i32
      %dma_start3A_21 = tpu.memref_slice %arg2[%dma_start3A_19, %dma_start3A_20] : memref<5000x256xf32, #tpu.memory_space<hbm>> -> memref<40x256xf32, #tpu.memory_space<hbm>>
      tpu.enqueue_dma source(%dma_start3A_21 : memref<40x256xf32, #tpu.memory_space<hbm>>) target(%arg10 : memref<40x256xf32, #tpu.memory_space<vmem>>) target_semaphore(%arg11 : memref<!tpu.dma_semaphore, #tpu.memory_space<semaphore_mem>>)
      %dma_wait3A = arith.constant 4960 : i32
      %dma_wait3A_22 = tpu.memref_slice %arg3[%dma_wait3A] : memref<5000xi32, #tpu.memory_space<hbm>> -> memref<40xi32, #tpu.memory_space<hbm>>
      %dma_wait3A_23 = arith.constant 4960 : i32
      %dma_wait3A_24 = tpu.memref_slice %arg3[%dma_wait3A_23] : memref<5000xi32, #tpu.memory_space<hbm>> -> memref<40xi32, #tpu.memory_space<hbm>>
      tpu.wait_dma2 semaphore(%arg11 : memref<!tpu.dma_semaphore, #tpu.memory_space<semaphore_mem>>) src(%dma_wait3A_24 : memref<40xi32, #tpu.memory_space<hbm>>) dst(%arg9 : memref<40xi32, #tpu.memory_space<vmem>>)
      %dma_wait3A_25 = arith.constant 4960 : i32
      %dma_wait3A_26 = arith.constant 0 : i32
      %dma_wait3A_27 = tpu.memref_slice %arg2[%dma_wait3A_25, %dma_wait3A_26] : memref<5000x256xf32, #tpu.memory_space<hbm>> -> memref<40x256xf32, #tpu.memory_space<hbm>>
      %dma_wait3A_28 = arith.constant 4960 : i32
      %dma_wait3A_29 = arith.constant 0 : i32
      %dma_wait3A_30 = tpu.memref_slice %arg2[%dma_wait3A_28, %dma_wait3A_29] : memref<5000x256xf32, #tpu.memory_space<hbm>> -> memref<40x256xf32, #tpu.memory_space<hbm>>
      tpu.wait_dma2 semaphore(%arg11 : memref<!tpu.dma_semaphore, #tpu.memory_space<semaphore_mem>>) src(%dma_wait3A_30 : memref<40x256xf32, #tpu.memory_space<hbm>>) dst(%arg10 : memref<40x256xf32, #tpu.memory_space<vmem>>)
      %dma_start3A_31 = arith.constant 0 : i32
      %dma_start3A_32 = arith.constant 0 : i32
      %dma_start3A_33 = tpu.memref_slice %arg4[%dma_start3A_31, %dma_start3A_32] : memref<10000x256xf32, #tpu.memory_space<hbm>> -> memref<10000x256xf32, #tpu.memory_space<hbm>>
      tpu.enqueue_indirect_dma source(%arg10 : memref<40x256xf32, #tpu.memory_space<vmem>>) target(%dma_start3A_33 : memref<10000x256xf32, #tpu.memory_space<hbm>>) offsets(%arg9 : memref<40xi32, #tpu.memory_space<vmem>>) semaphore(%arg12 : memref<!tpu.dma_semaphore, #tpu.memory_space<semaphore_mem>>)
      %dma_wait3A_34 = arith.constant 0 : i32
      %dma_wait3A_35 = arith.constant 0 : i32
      %dma_wait3A_36 = tpu.memref_slice %arg4[%dma_wait3A_34, %dma_wait3A_35] : memref<10000x256xf32, #tpu.memory_space<hbm>> -> memref<10000x256xf32, #tpu.memory_space<hbm>>
      tpu.wait_indirect_dma semaphore(%arg12 : memref<!tpu.dma_semaphore, #tpu.memory_space<semaphore_mem>>) src(%arg10 : memref<40x256xf32, #tpu.memory_space<vmem>>) dst(%dma_wait3A_36 : memref<10000x256xf32, #tpu.memory_space<hbm>>)
    } else {
    }
    return
  }
}

module attributes {stable_mosaic.version = 14 : i64} {
  func.func @body(%arg0: i32, %arg1: memref<1000x256xf32, #tpu.memory_space<vmem>>) attributes {dimension_semantics = [#tpu.dimension_semantics<arbitrary>], iteration_bounds = array<i64: 10>, scalar_prefetch = 0 : i64, scratch_operands = 0 : i64, tpu.core_type = #tpu.core_type<tc>, window_params = [{transform_indices = @transform_0, window_bounds = array<i64: 1000, 256>}]} {
    %broadcast_in_dim3A = arith.constant 0.000000e+00 : f32
    %broadcast_in_dim3A_0 = vector.broadcast %broadcast_in_dim3A : f32 to vector<1000x256xf32>
    %swap3A = arith.constant 0 : index
    %swap3A_1 = arith.constant 0 : index
    %swap3A_2 = vector.load %arg1[%swap3A, %swap3A_1] : memref<1000x256xf32, #tpu.memory_space<vmem>>, vector<1000x256xf32>
    tpu.vector_store %arg1[%swap3A, %swap3A_1], %broadcast_in_dim3A_0 {strides = array<i32>} : memref<1000x256xf32, #tpu.memory_space<vmem>>, vector<1000x256xf32>,
    return
  }
  func.func @transform_0(%arg0: i32) -> (i32, i32) {
    %c0_i32 = arith.constant 0 : i32
    %c0_i32_0 = arith.constant 0 : i32
    return %arg0, %c0_i32 : i32, i32
  }
}

module attributes {stable_mosaic.version = 14 : i64} {
  func.func @body(%arg0: i32, %arg1: memref<200x10000xf32, #tpu.memory_space<vmem>>, %arg2: memref<200x10000xf32, #tpu.memory_space<vmem>>) attributes {dimension_semantics = [#tpu.dimension_semantics<arbitrary>], iteration_bounds = array<i64: 50>, scalar_prefetch = 0 : i64, scratch_operands = 0 : i64, tpu.core_type = #tpu.core_type<tc>, window_params = [{transform_indices = @transform_0, window_bounds = array<i64: 200, 10000>}, {transform_indices = @transform_1, window_bounds = array<i64: 200, 10000>}]} {
    %get3A = arith.constant 0 : index
    %get3A_0 = arith.constant 0 : index
    %get3A_1 = vector.load %arg1[%get3A, %get3A_0] : memref<200x10000xf32, #tpu.memory_space<vmem>>, vector<200x10000xf32>
    %swap3A = arith.constant 0 : index
    %swap3A_2 = arith.constant 0 : index
    %swap3A_3 = vector.load %arg2[%swap3A, %swap3A_2] : memref<200x10000xf32, #tpu.memory_space<vmem>>, vector<200x10000xf32>
    tpu.vector_store %arg2[%swap3A, %swap3A_2], %get3A_1 {strides = array<i32>} : memref<200x10000xf32, #tpu.memory_space<vmem>>, vector<200x10000xf32>,
    return
  }
  func.func @transform_0(%arg0: i32) -> (i32, i32) {
    %c0_i32 = arith.constant 0 : i32
    %c0_i32_0 = arith.constant 0 : i32
    return %arg0, %c0_i32 : i32, i32
  }
  func.func @transform_1(%arg0: i32) -> (i32, i32) {
    %c0_i32 = arith.constant 0 : i32
    %c0_i32_0 = arith.constant 0 : i32
    return %arg0, %c0_i32 : i32, i32
  }
}

</mosaic_0001>

<sc_bundles>
// kernel: kernel.5.cloned.1.call-start
scs
__scs_entry_jumppad:
0x0: {  	(pc) =	sbr.rel $0x88, $3  }
0x1: {  	(tag) =	ssettag $0x0;
	lr =	simm.s32 $0x1  }
0x2: {  	[smem:$0x3F9E] =	sst lr;
	_ =	strace $0xD0000000  }
0x3: {  	_ = 	snop  }
0x4: {  	_ = 	snop  }
0x5: {  	_ = 	snop  }
0x6: {  	_ = 	snop  }
0x7: {  	_ = 	snop  }
__scs_overlays_trampoline_lowered:
0x8: {  	[smem:$0x3FAD] =	sst s0  }
0x9: {  	[smem:$0x3FAE] =	sst s1  }
0xa: {  	[smem:$0x3FAF] =	sst s2  }
0xb: {  	[smem:$0x3FB0] =	sst s3  }
0xc: {  	[smem:$0x3FB1] =	sst s4  }
0xd: {  	[smem:$0x3FB2] =	sst s5  }
0xe: {  	[smem:$0x3FB3] =	sst s6  }
0xf: {  	[smem:$0x3FB4] =	sst s7  }
0x10: {  	[smem:$0x3FB5] =	sst s8  }
0x11: {  	[smem:$0x3FB6] =	sst s9;
	s0 =	simm.s32 @!p0 $0x0  }
0x12: {  	s1 =	sld [smem:$0x3F9C];
	s0 =	simm.s32 @p0 $0x1  }
0x13: {  	[smem:$0x3FB7] =	sst s0;
	s0 =	simm.s32 @!p1 $0x0  }
0x14: {  	s2 =	sld [smem:$0x3F9B];
	s0 =	simm.s32 @p1 $0x1  }
0x15: {  	[smem:$0x3FB8] =	sst s0;
	s0 =	simm.s32 @!p2 $0x0  }
0x16: {  	s3 =	sld [smem:$0x3FDB];
	s0 =	simm.s32 @p2 $0x1  }
0x17: {  	s4 =	simm.s32 $0x1BF5;
	[smem:$0x3FBA] =	sst s0  }
0x18: {  	s0 =	sld [smem:$0x3F9D];
	_ =	swait.ge [sflag:s4], $0x0  }
0x19: {  	s7 =	sld [smem:$0x3F9E]  }
0x1a: {  	s8 =	sadd.s32 $0xFFFFE003, lr  }
0x1b: {  	s9 =	sadd.s32 $0xFFFFFEF7, lr;
	s5 =	simm.s32 $0xFFFFFFFF;
	p2 =	slt.u32 s8, $0xFFFFF086  }
0x1c: {  	p1 =	slt.u32 s9, $0xF7A;
	s5 =	simm.s32 @!p2 $0x0  }
0x1d: {  	s5 =	simm.s32 @p1 $0x1;
	p0 =	seq.s32 s7, s2  }
0x1e: {  	s7 =	smul.u32 @!p0 $0xF7A, s2;
	p2 =	seq.s32 @!p0 s5, $0x0  }
0x1f: {  	s9 =	smul.u32 $0xF7A, s1;
	s8 =	simm.s32 @!p0 $0x1BF5;
	p2 =	por !p2, p0  }
0x20: {  	[sflag:s8] =	ssyncset.s32 @!p0 $0xFFFFF086;
	s6 =	sadd.s32 @!p0 s3, s7;
	s7 =	simm.s32 @!p0 $0x108  }
0x21: {  	s3 =	sadd.s32 s3, s9;
	s6 =	sadd.s32 @!p0 $0x88, s6;
	s7 =	simm.s32 @p2 $0x1082  }
0x22: {  	[simem:s7], [sflag:s8] =	dma.local @!p0 [hbm:s6], $0xF7A  }
0x23: {  	s9 =	sor.u32 $0xD0000000, s2;
	s6 =	simm.s32 $0x108;
	_ =	swait.ge @!p0 [sflag:s8], $0x0  }
0x24: {  	s3 =	sadd.s32 $0x88, s3;
	s6 =	simm.s32 @!p1 $0x1082;
	[sflag:s4] =	ssyncset.s32 $0xFFFFF086  }
0x25: {  	[simem:s6], [sflag:s4] =	dma.local [hbm:s3], $0xF7A  }
0x26: {  	[smem:$0x3F9E] =	sst s1;
	(tag) =	ssettag s2;
	_ =	strace s9  }
0x27: {  	s1 =	sld [smem:$0x3FAE]  }
0x28: {  	s2 =	sld [smem:$0x3FAF]  }
0x29: {  	s4 =	sld [smem:$0x3FB1]  }
0x2a: {  	p0 =	seq.s32 s5, $0x0;
	s5 =	sld [smem:$0x3FB2]  }
0x2b: {  	s6 =	sld [smem:$0x3FB3]  }
0x2c: {  	s7 =	sld [smem:$0x3FB4]  }
0x2d: {  	s3 =	simm.s32 $0x108;
	s8 =	sld [smem:$0x3FB5]  }
0x2e: {  	s3 =	simm.s32 @!p0 $0x1082;
	s9 =	sld [smem:$0x3FB6]  }
0x2f: {  	lr =	sadd.s32 s0, s3;
	s0 =	sld [smem:$0x3FAD]  }
0x30: {  	s3 =	sld [smem:$0x3FB0]  }
0x31: {  	[smem:$0x3FB9] =	sst s10  }
0x32: {  	s10 =	sld [smem:$0x3FB7];
	_ =	sdelay $0x3  }
0x33: {  	p0 =	seq.s32 s10, $0x1;
	s10 =	sld [smem:$0x3FB9];
	_ =	sdelay $0x3  }
0x34: {  	[smem:$0x3FB9] =	sst s10  }
0x35: {  	s10 =	sld [smem:$0x3FB8];
	_ =	sdelay $0x3  }
0x36: {  	p1 =	seq.s32 s10, $0x1;
	s10 =	sld [smem:$0x3FB9];
	_ =	sdelay $0x3  }
0x37: {  	[smem:$0x3FB9] =	sst s10  }
0x38: {  	s10 =	sld [smem:$0x3FBA]  }
0x39: {  	_ = 	snop;
	(pc) =	sbr.ind lr, $3  }
0x3a: {  	_ = 	snop  }
0x3b: {  	_ = 	snop  }
0x3c: {  	p2 =	seq.s32 s10, $0x1;
	s10 =	sld [smem:$0x3FB9]  }
0x3d: {  	_ =	shalt  }
0x3e: {  	_ =	shalt  }
0x3f: {  	_ =	shalt  }
0x40: {  	_ =	shalt  }
0x41: {  	_ =	shalt  }
0x42: {  	_ =	shalt  }
0x43: {  	_ =	shalt  }
0x44: {  	_ =	shalt  }
0x45: {  	_ =	shalt  }
0x46: {  	_ =	shalt  }
0x47: {  	_ =	shalt  }
0x48: {  	_ =	shalt  }
0x49: {  	_ =	shalt  }
0x4a: {  	_ =	shalt  }
0x4b: {  	_ =	shalt  }
0x4c: {  	_ =	shalt  }
0x4d: {  	_ =	shalt  }
0x4e: {  	_ =	shalt  }
0x4f: {  	_ =	shalt  }
0x50: {  	_ =	shalt  }
0x51: {  	_ =	shalt  }
0x52: {  	_ =	shalt  }
0x53: {  	_ =	shalt  }
0x54: {  	_ =	shalt  }
0x55: {  	_ =	shalt  }
0x56: {  	_ =	shalt  }
0x57: {  	_ =	shalt  }
0x58: {  	_ =	shalt  }
0x59: {  	_ =	shalt  }
0x5a: {  	_ =	shalt  }
0x5b: {  	_ =	shalt  }
0x5c: {  	_ =	shalt  }
0x5d: {  	_ =	shalt  }
0x5e: {  	_ =	shalt  }
0x5f: {  	_ =	shalt  }
0x60: {  	_ =	shalt  }
0x61: {  	_ =	shalt  }
0x62: {  	_ =	shalt  }
0x63: {  	_ =	shalt  }
0x64: {  	_ =	shalt  }
0x65: {  	_ =	shalt  }
0x66: {  	_ =	shalt  }
0x67: {  	_ =	shalt  }
0x68: {  	_ =	shalt  }
0x69: {  	_ =	shalt  }
0x6a: {  	_ =	shalt  }
0x6b: {  	_ =	shalt  }
0x6c: {  	_ =	shalt  }
0x6d: {  	_ =	shalt  }
0x6e: {  	_ =	shalt  }
0x6f: {  	_ =	shalt  }
0x70: {  	_ =	shalt  }
0x71: {  	_ =	shalt  }
0x72: {  	_ =	shalt  }
0x73: {  	_ =	shalt  }
0x74: {  	_ =	shalt  }
0x75: {  	_ =	shalt  }
0x76: {  	_ =	shalt  }
0x77: {  	_ =	shalt  }
0x78: {  	_ =	shalt  }
0x79: {  	_ =	shalt  }
0x7a: {  	_ =	shalt  }
0x7b: {  	_ =	shalt  }
0x7c: {  	_ =	shalt  }
0x7d: {  	_ =	shalt  }
0x7e: {  	_ =	shalt  }
0x7f: {  	_ =	shalt  }
0x80: {  	_ =	shalt  }
0x81: {  	_ =	shalt  }
0x82: {  	_ =	shalt  }
0x83: {  	_ =	shalt  }
0x84: {  	_ =	shalt  }
0x85: {  	_ =	shalt  }
0x86: {  	_ =	shalt  }
0x87: {  	_ =	shalt  }
.Lfunc_end0:
.L_simem_size_0:
called_computation_lowered:
.L_overlay_start_0:
0x88: {  	s2 =	sld [smem:$0x3FD9]  }
0x89: {  	s3 =	sld [smem:$0x3FFE];
	_ =	sdelay $0x1  }
0x8a: {  	s1 =	srdreg.scid  }
0x8b: {  	s0 =	sand.u32 $0x1, s1  }
0x8c: {  	s15 =	sshll.u32 s0, $0xA;
	s2 =	sadd.s32 s3, s2  }
0x8d: {  	s2 =	sadd.s32 s2, s15  }
0x8e: {  	[smem:$0x3FC5] =	sst s2  }
0x8f: {  	_ = 	snop  }
0x90: {  	s2 =	sld [smem:$0x3FD0];
	_ =	sdelay $0x1  }
0x91: {  	s16 =	sld [smem:$0x3FC8]  }
0x92: {  	s5 =	simm.s32 $0xA;
	s6 =	simm.s32 $0x10;
	s4 =	sld [smem:$0x3FC7]  }
0x93: {  	[smem:s6], [sflag:s5] =	dma.local [hbm:s2], $0x1  }
0x94: {  	_ =	swait.eq [sflag:s5], $0x1  }
0x95: {  	[sflag:s5] =	ssyncset.done $0x0  }
0x96: {  	[sflag:s5] =	ssyncadd.s32 $0xFFFFFFFF  }
0x97: {  	s17 =	sld [smem:$0x11];
	(tm) =	ssettm $0x1  }
0x98: {  	s18 =	sld [smem:$0x3FFB];
	_ =	sdelay $0x3  }
0x99: {  	_ =	strace s18  }
0x9a: {  	s5 =	sld [smem:$0x3FFC];
	_ =	sdelay $0x3  }
0x9b: {  	_ =	strace s5  }
0x9c: {  	s5 =	sld [smem:$0x3FFD];
	_ =	sdelay $0x3  }
0x9d: {  	_ =	strace s5  }
0x9e: {  	_ =	strace $0x8FFFFFFF  }
0x9f: {  	s19 =	sld [smem:$0x3FDB];
	_ =	sdelay $0x1  }
0xa0: {  	s20 =	simm.s32 $_scs_section_size  }
0xa1: {  	s7 =	simm.s32 $_size__tile_overlayer_lowered;
	s8 =	simm.s32 $_tile_overlayer_lowered  }
0xa2: {  	s23 =	simm.s32 $0x1BFF;
	s22 =	sshll.u32 s8, $0x1;
	s5 =	sadd.s32 s20, s19  }
0xa3: {  	s9 =	simm.s32 $0x0;
	s21 =	sshll.u32 s7, $0x1;
	s7 =	sadd.s32 s22, s5  }
0xa4: {  	[timem:s9], [sflag:s23] =	dma.local [hbm:s7], s21  }
0xa5: {  	_ =	swait.ge [sflag:s23], s21  }
0xa6: {  	s6 =	ssub.s32 $0x0, s21;
	[sflag:s23] =	ssyncset.done $0x0  }
0xa7: {  	[sflag:s23] =	ssyncadd.s32 s6;
	_ =	sdelay $0x1  }
0xa8: {  	s24 =	simm.s32 $0x1B8B  }
0xa9: {  	_ =	swait.ge [sflag:s24], $0x1  }
0xaa: {  	[sflag:s24] =	ssyncset.done $0x0  }
0xab: {  	s25 =	simm.s32 $0x1B8E;
	[sflag:s24] =	ssyncadd.s32 $0xFFFFFFFF  }
0xac: {  	s26 =	simm.s32 $execute0_lowered;
	[smem:$0x3FD2] =	sst s25  }
0xad: {  	s6 =	sshll.u32 s26, $0x1;
	_ =	strace $0x80000046;
	[dreg:$0x1] =	wrdreg $0xFFFFFFFF  }
0xae: {  	s28 =	simm.s32 $_size_execute0_lowered;
	s5 =	sadd.s32 s5, s6;
	[dreg:$0x0] =	wrdreg $0x0  }
0xaf: {  	s6 =	sshll.u32 s28, $0x1;
	[dreg:$0x2] =	wrdreg s5  }
0xb0: {  	[dreg:$0x3] =	wrdreg s6  }
0xb1: {  	[dreg:$0x4] =	wrdreg $0xC0  }
0xb2: {  	_ =	task [dreg:s9], $0x5FFFF  }
0xb3: {  	[dreg:$0x1] =	wrdreg $0xFFFFFFFF  }
0xb4: {  	[dreg:$0x0] =	wrdreg $0x60  }
0xb5: {  	[dreg:$0x2] =	wrdreg s16  }
0xb6: {  	[dreg:$0x3] =	wrdreg s4  }
0xb7: {  	[dreg:$0x4] =	wrdreg s17  }
0xb8: {  	[dreg:$0x5] =	wrdreg $0x9  }
0xb9: {  	_ =	task.clear_ibuf [dreg:s9], $0x6FFFF;
	_ =	strace $0x90000046  }
0xba: {  	s29 =	simm.s32 $0x9;
	_ =	strace $0x80000048  }
0xbb: {  	_ =	swait.ge [sflag:s29], $0x1  }
0xbc: {  	[sflag:s29] =	ssyncadd.s32 $0xFFFFFFFF  }
0xbd: {  	_ =	strace $0x90000048  }
0xbe: {  	_ =	sfence  }
0xbf: {  	s30 =	sld [smem:$0x0];
	_ =	sdelay $0x2  }
0xc0: {  	s31 =	sshll.u32 s1, $0xD;
	s1 =	sshrl.u32 s1, $0x2  }
0xc1: {  	s3 =	sand.u32 $0x4000, s31;
	s1 =	sadd.s32 s1, s30  }
0xc2: {  	s0 =	sor.u32 s3, s0;
	s1 =	sshll.u32 s1, $0x11  }
0xc3: {  	s0 =	sor.u32 s1, s0  }
0xc4: {  	s0 =	sadd.s32 $0x8F2B, s0  }
0xc5: {  	[sflag:s0] =	ssyncadd.remote.s32 $0x1  }
0xc6: {  	_ =	sfence.sel $0xFFFF  }
0xc7: {  	[dreg:$0x0] =	wrdreg $0xFFFFFFFF;
	(pc) =	sbr.abs _section_cstart, $3  }
0xc8: {  	[dreg:$0x1] =	wrdreg $0xFFFFFFFF  }
0xc9: {  	_ =	task.clear_ibuf [dreg:s9], $0x2FFFF;
	_ =	strace $0x9FFFFFFF  }
0xca: {  	(tm) =	ssettm $0x7FFFFFFF  }
0xcb: {  	_ =	shalt  }
tec
execute0_lowered:
.L_overlay_start_1:
0x0: {  	(tag) =	ssettag $0x1  }
0x1: {  	s0 =	srdreg.scid;
	s1 =	rddreg [dreg:$0x0]  }
0x2: {  	s7 =	rddreg [dreg:$0x1];
	s4 =	stileid.u32  }
0x3: {  	s2 =	rddreg [dreg:$0x2];
	s11 =	simm.s32 $0xA180;
	s12 =	simm.s32 $0x1  }
0x4: {  	s17 =	simm.s32 $0x2;
	s19 =	simm.s32 $0x100;
	s21 =	simm.s32 $0x1100  }
0x5: {  	s22 =	simm.s32 $0x1900;
	s23 =	simm.s32 $0x2100;
	s24 =	simm.s32 $0x2900  }
0x6: {  	s25 =	simm.s32 $0x3100;
	s28 =	simm.s32 $0x4100;
	s29 =	simm.s32 $0x4900  }
0x7: {  	s30 =	simm.s32 $0x5100;
	s31 =	simm.s32 $0x5900;
	s0 =	sand.u32 $0x1, s0  }
0x8: {  	s13 =	simm.s32 $0x7900;
	s14 =	simm.s32 $0x8100;
	s3 =	sshll.u32 s0, $0x4  }
0x9: {  	s15 =	simm.s32 $0x8900;
	s16 =	simm.s32 $0x9100;
	s10 =	sor.u32 s4, s3  }
0xa: {  	s18 =	simm.s32 $0x9900;
	s0 =	ssub.s32 $0x2, s0;
	s4 =	smul.u32 $0xA0, s10  }
0xb: {  	s3 =	simm.s32 $0x0;
	s6 =	sshrl.u32 s0, $0x1;
	s5 =	smul.u32 $0x14, s10  }
0xc: {  	[smem:$0x7FF] =	sst s3;
	s8 =	smul.u32 $0x1400, s10;
	s0 =	ssub.s32 s0, s6  }
.Ltmp0:
0xd: {  	p0 =	seq.s32 s10, $0x1F;
	s10 =	simm.s32 $0x7100;
	(pc) =	sbr.rel .LBB2_1-.Ltmp0, $4  }
0xe: {  	_ =	strace $0x80000047;
	s9 =	smax.u32 s0, $0x1;
	s0 =	simm.s32 $0x6900  }
0xf: {  	v2 =	vlaneseq.u32;
	s4 =	sshrl.u32 s4, $0x3;
	s6 =	sadd.s32 s1, s8;
	s8 =	sadd.s32 $0x26C00, s1  }
0x10: {  	vm0 =	vmmov $0xffff;
	v1 =	vshrl.u32 v2, $0x3;
	s1 =	simm.s32 $0x6100;
	s26 =	sadd.s32 s7, s4;
	s4 =	sadd.s32 s7, s5  }
0x11: {  	v0 =	vand.u32 $0x7, v2;
	v2 =	vor.u32 $0x8, v2;
	v1 =	vmul.u32 $0x8, v1;
	s7 =	sadd.s32 $0x26C, s7;
	s5 =	sadd.s32 $0xA, s26;
	s26 =	simm.s32 $0x3900  }
.LBB2_3:
0x12: {  	s20 =	simm.s32 $0xA100  }
0x13: {  	[tilespmem:s20], [sflag:$0x1] =	stream.linear.gather [hbm4b:s7+s3], $0x28, $0x38;
	[tilespmem:$0xC980] =	vst v63  }
0x14: {  	_ = 	snop  }
0x15: {  	[tilespmem:s11], [sflag:$0x1] =	stream.linear.gather [hbm4b:s8+s3], $0x2800, $0x38;
	[tilespmem:$0xC980] =	vst v63  }
0x16: {  	_ =	swait.ge [sflag:s12], $0x28  }
0x17: {  	[sflag:s12] =	ssyncset.done $0x0  }
0x18: {  	[sflag:s12] =	ssyncadd.s32 $0xFFFFFFD8  }
0x19: {  	_ =	swait.ge [sflag:s12], $0x2800  }
0x1a: {  	[sflag:s12] =	ssyncset.done $0x0  }
0x1b: {  	[sflag:s12] =	ssyncadd.s32 $0xFFFFD800  }
0x1c: {  	v3 =	vld [tilespmem:$0xA100];
	_ =	sdelay $0x4  }
0x1d: {  	v4 =	vshll.u32 v3, $0x1  }
0x1e: {  	v3 =	vand.u32 $0x7, v3;
	v4 =	vand.u32 $0xFFFFFFF0, v4  }
0x1f: {  	v3 =	vor.u32 v3, v4  }
0x20: {  	v4 =	vperm.xlane v3, v0;
	_ =	sdelay $0x1  }
0x21: {  	v3 =	vperm.xlane v3, v2;
	v4 =	vadd.s32 v1, v4;
	_ =	sdelay $0x1  }
0x22: {  	v3 =	vadd.s32 v1, v3;
	_ =	sdelay $0x2  }
0x23: {  	[hbm4b:s2+s3] =	stream.indirect_vreg.scatter [tilespmem:s11], [sflag:$0x2], $0x80, v4, vm0, $0xb8;
	[tilespmem:$0xC980] =	vst v63  }
0x24: {  	s20 =	simm.s32 $0xA980  }
0x25: {  	[hbm4b:s2+s3] =	stream.indirect_vreg.scatter [tilespmem:s20], [sflag:$0x2], $0x80, v3, vm0, $0xb8;
	[tilespmem:$0xC980] =	vst v63  }
0x26: {  	v3 =	vld [tilespmem:$0xA110];
	_ =	sdelay $0x4  }
0x27: {  	v62 =	vshll.u32 v3, $0x1  }
0x28: {  	v3 =	vand.u32 $0x7, v3;
	v4 =	vand.u32 $0xFFFFFFF0, v62  }
0x29: {  	v3 =	vor.u32 v3, v4  }
0x2a: {  	v4 =	vperm.xlane v3, v0;
	_ =	sdelay $0x1  }
0x2b: {  	v3 =	vperm.xlane v3, v2;
	v4 =	vadd.s32 v1, v4;
	_ =	sdelay $0x1  }
0x2c: {  	v3 =	vadd.s32 v1, v3;
	_ =	sdelay $0x1  }
0x2d: {  	s20 =	simm.s32 $0xB180  }
0x2e: {  	[hbm4b:s2+s3] =	stream.indirect_vreg.scatter [tilespmem:s20], [sflag:$0x2], $0x80, v4, vm0, $0xb8;
	[tilespmem:$0xC980] =	vst v63  }
0x2f: {  	s20 =	simm.s32 $0xB980  }
0x30: {  	[hbm4b:s2+s3] =	stream.indirect_vreg.scatter [tilespmem:s20], [sflag:$0x2], $0x80, v3, vm0, $0xb8;
	[tilespmem:$0xC980] =	vst v63  }
0x31: {  	v3 =	vld.msk [tilespmem:$0xA120], $0xff;
	_ =	sdelay $0x4  }
0x32: {  	v63 =	vshll.u32 v3, $0x1  }
0x33: {  	v3 =	vand.u32 $0x7, v3;
	v4 =	vand.u32 $0xFFFFFFF0, v63  }
0x34: {  	v3 =	vor.u32 v3, v4  }
0x35: {  	v3 =	vperm.xlane v3, v0;
	_ =	sdelay $0x1  }
0x36: {  	v3 =	vadd.s32 v1, v3;
	_ =	sdelay $0x3  }
0x37: {  	s20 =	simm.s32 $0xC180  }
0x38: {  	[hbm4b:s2+s3] =	stream.indirect_vreg.scatter [tilespmem:s20], [sflag:$0x2], $0x80, v3, vm0, $0xb8;
	[tilespmem:$0xC980] =	vst v63  }
0x39: {  	_ =	swait.ge [sflag:s17], $0x2800  }
0x3a: {  	[sflag:s17] =	ssyncset.done $0x0  }
0x3b: {  	[sflag:s17] =	ssyncadd.s32 $0xFFFFD800  }
.LBB2_4:
0x3c: {  	s9 =	sadd.s32 $0xFFFFFFFF, s9  }
0x3d: {  	p1 =	sne.s32 s9, $0x0  }
.Ltmp1:
0x3e: {  	_ = 	snop;
	(pc) =	sbr.rel @!p1 .LBB2_5-.Ltmp1, $1  }
0x3f: {  	_ =	sdelay $0x3  }
.LBB2_1:
.Ltmp2:
0x40: {  	(pc) =	sbr.rel @p0 .LBB2_3-.Ltmp2, $1  }
0x41: {  	_ =	sdelay $0x3  }
0x42: {  	[tilespmem:s3], [sflag:$0x1] =	stream.linear.gather [hbm4b:s4+s3], $0x50, $0x38;
	[tilespmem:$0xC980] =	vst v63  }
0x43: {  	s20 =	simm.s32 $0x80  }
0x44: {  	[tilespmem:s20], [sflag:$0x1] =	stream.linear.gather [hbm4b:s5+s3], $0x50, $0x38;
	[tilespmem:$0xC980] =	vst v63  }
0x45: {  	_ = 	snop  }
0x46: {  	[tilespmem:s19], [sflag:$0x1] =	stream.linear.gather [hbm4b:s6+s3], $0xA000, $0x38;
	[tilespmem:$0xC980] =	vst v63  }
0x47: {  	_ =	swait.ge [sflag:s12], $0x50  }
0x48: {  	[sflag:s12] =	ssyncset.done $0x0  }
0x49: {  	[sflag:s12] =	ssyncadd.s32 $0xFFFFFFB0  }
0x4a: {  	_ =	swait.ge [sflag:s12], $0x50  }
0x4b: {  	[sflag:s12] =	ssyncset.done $0x0  }
0x4c: {  	[sflag:s12] =	ssyncadd.s32 $0xFFFFFFB0  }
0x4d: {  	_ =	swait.ge [sflag:s12], $0xA000  }
0x4e: {  	[sflag:s12] =	ssyncset.done $0x0  }
0x4f: {  	[sflag:s12] =	ssyncadd.s32 $0xFFFF6000  }
0x50: {  	v3 =	vld [tilespmem:$0x0];
	_ =	sdelay $0x4  }
0x51: {  	v4 =	vshll.u32 v3, $0x1  }
0x52: {  	v3 =	vand.u32 $0x7, v3;
	v4 =	vand.u32 $0xFFFFFFF0, v4  }
0x53: {  	v3 =	vor.u32 v3, v4  }
0x54: {  	v4 =	vperm.xlane v3, v0;
	_ =	sdelay $0x1  }
0x55: {  	v3 =	vperm.xlane v3, v2;
	v4 =	vadd.s32 v1, v4;
	_ =	sdelay $0x1  }
0x56: {  	v3 =	vadd.s32 v1, v3;
	_ =	sdelay $0x2  }
0x57: {  	[hbm4b:s2+s3] =	stream.indirect_vreg.scatter [tilespmem:s19], [sflag:$0x2], $0x80, v4, vm0, $0xb8;
	[tilespmem:$0xC980] =	vst v63  }
0x58: {  	s20 =	simm.s32 $0x900  }
0x59: {  	[hbm4b:s2+s3] =	stream.indirect_vreg.scatter [tilespmem:s20], [sflag:$0x2], $0x80, v3, vm0, $0xb8;
	[tilespmem:$0xC980] =	vst v63  }
0x5a: {  	v3 =	vld [tilespmem:$0x10];
	_ =	sdelay $0x4  }
0x5b: {  	v55 =	vshll.u32 v3, $0x1  }
0x5c: {  	v3 =	vand.u32 $0x7, v3;
	v4 =	vand.u32 $0xFFFFFFF0, v55  }
0x5d: {  	v3 =	vor.u32 v3, v4  }
0x5e: {  	v4 =	vperm.xlane v3, v0;
	_ =	sdelay $0x1  }
0x5f: {  	v3 =	vperm.xlane v3, v2;
	v4 =	vadd.s32 v1, v4;
	_ =	sdelay $0x1  }
0x60: {  	v3 =	vadd.s32 v1, v3;
	_ =	sdelay $0x2  }
0x61: {  	[hbm4b:s2+s3] =	stream.indirect_vreg.scatter [tilespmem:s21], [sflag:$0x2], $0x80, v4, vm0, $0xb8;
	[tilespmem:$0xC980] =	vst v63  }
0x62: {  	_ = 	snop  }
0x63: {  	[hbm4b:s2+s3] =	stream.indirect_vreg.scatter [tilespmem:s22], [sflag:$0x2], $0x80, v3, vm0, $0xb8;
	[tilespmem:$0xC980] =	vst v63  }
0x64: {  	v3 =	vld [tilespmem:$0x20];
	_ =	sdelay $0x4  }
0x65: {  	v56 =	vshll.u32 v3, $0x1  }
0x66: {  	v3 =	vand.u32 $0x7, v3;
	v4 =	vand.u32 $0xFFFFFFF0, v56  }
0x67: {  	v3 =	vor.u32 v3, v4  }
0x68: {  	v4 =	vperm.xlane v3, v0;
	_ =	sdelay $0x1  }
0x69: {  	v3 =	vperm.xlane v3, v2;
	v4 =	vadd.s32 v1, v4;
	_ =	sdelay $0x1  }
0x6a: {  	v3 =	vadd.s32 v1, v3;
	_ =	sdelay $0x2  }
0x6b: {  	[hbm4b:s2+s3] =	stream.indirect_vreg.scatter [tilespmem:s23], [sflag:$0x2], $0x80, v4, vm0, $0xb8;
	[tilespmem:$0xC980] =	vst v63  }
0x6c: {  	_ = 	snop  }
0x6d: {  	[hbm4b:s2+s3] =	stream.indirect_vreg.scatter [tilespmem:s24], [sflag:$0x2], $0x80, v3, vm0, $0xb8;
	[tilespmem:$0xC980] =	vst v63  }
0x6e: {  	v3 =	vld [tilespmem:$0x30];
	_ =	sdelay $0x4  }
0x6f: {  	v57 =	vshll.u32 v3, $0x1  }
0x70: {  	v3 =	vand.u32 $0x7, v3;
	v4 =	vand.u32 $0xFFFFFFF0, v57  }
0x71: {  	v3 =	vor.u32 v3, v4  }
0x72: {  	v4 =	vperm.xlane v3, v0;
	_ =	sdelay $0x1  }
0x73: {  	v3 =	vperm.xlane v3, v2;
	v4 =	vadd.s32 v1, v4;
	_ =	sdelay $0x1  }
0x74: {  	v3 =	vadd.s32 v1, v3;
	_ =	sdelay $0x2  }
0x75: {  	[hbm4b:s2+s3] =	stream.indirect_vreg.scatter [tilespmem:s25], [sflag:$0x2], $0x80, v4, vm0, $0xb8;
	[tilespmem:$0xC980] =	vst v63  }
0x76: {  	_ = 	snop  }
0x77: {  	[hbm4b:s2+s3] =	stream.indirect_vreg.scatter [tilespmem:s26], [sflag:$0x2], $0x80, v3, vm0, $0xb8;
	[tilespmem:$0xC980] =	vst v63  }
0x78: {  	v3 =	vld [tilespmem:$0x40];
	_ =	sdelay $0x4  }
0x79: {  	v58 =	vshll.u32 v3, $0x1  }
0x7a: {  	v3 =	vand.u32 $0x7, v3;
	v4 =	vand.u32 $0xFFFFFFF0, v58  }
0x7b: {  	v3 =	vor.u32 v3, v4  }
0x7c: {  	v4 =	vperm.xlane v3, v0;
	_ =	sdelay $0x1  }
0x7d: {  	v3 =	vperm.xlane v3, v2;
	v4 =	vadd.s32 v1, v4;
	_ =	sdelay $0x1  }
0x7e: {  	v3 =	vadd.s32 v1, v3;
	_ =	sdelay $0x2  }
0x7f: {  	[hbm4b:s2+s3] =	stream.indirect_vreg.scatter [tilespmem:s28], [sflag:$0x2], $0x80, v4, vm0, $0xb8;
	[tilespmem:$0xC980] =	vst v63  }
0x80: {  	_ = 	snop  }
0x81: {  	[hbm4b:s2+s3] =	stream.indirect_vreg.scatter [tilespmem:s29], [sflag:$0x2], $0x80, v3, vm0, $0xb8;
	[tilespmem:$0xC980] =	vst v63  }
0x82: {  	v3 =	vld [tilespmem:$0x80];
	_ =	sdelay $0x4  }
0x83: {  	v59 =	vshll.u32 v3, $0x1  }
0x84: {  	v3 =	vand.u32 $0x7, v3;
	v4 =	vand.u32 $0xFFFFFFF0, v59  }
0x85: {  	v3 =	vor.u32 v3, v4  }
0x86: {  	v4 =	vperm.xlane v3, v0;
	_ =	sdelay $0x1  }
0x87: {  	v3 =	vperm.xlane v3, v2;
	v4 =	vadd.s32 v1, v4;
	_ =	sdelay $0x1  }
0x88: {  	v3 =	vadd.s32 v1, v3;
	_ =	sdelay $0x2  }
0x89: {  	[hbm4b:s2+s3] =	stream.indirect_vreg.scatter [tilespmem:s30], [sflag:$0x2], $0x80, v4, vm0, $0xb8;
	[tilespmem:$0xC980] =	vst v63  }
0x8a: {  	_ = 	snop  }
0x8b: {  	[hbm4b:s2+s3] =	stream.indirect_vreg.scatter [tilespmem:s31], [sflag:$0x2], $0x80, v3, vm0, $0xb8;
	[tilespmem:$0xC980] =	vst v63  }
0x8c: {  	v3 =	vld [tilespmem:$0x90];
	_ =	sdelay $0x4  }
0x8d: {  	v60 =	vshll.u32 v3, $0x1  }
0x8e: {  	v3 =	vand.u32 $0x7, v3;
	v4 =	vand.u32 $0xFFFFFFF0, v60  }
0x8f: {  	v3 =	vor.u32 v3, v4  }
0x90: {  	v4 =	vperm.xlane v3, v0;
	_ =	sdelay $0x1  }
0x91: {  	v3 =	vperm.xlane v3, v2;
	v4 =	vadd.s32 v1, v4;
	_ =	sdelay $0x1  }
0x92: {  	v3 =	vadd.s32 v1, v3;
	_ =	sdelay $0x2  }
0x93: {  	[hbm4b:s2+s3] =	stream.indirect_vreg.scatter [tilespmem:s1], [sflag:$0x2], $0x80, v4, vm0, $0xb8;
	[tilespmem:$0xC980] =	vst v63  }
0x94: {  	_ = 	snop  }
0x95: {  	[hbm4b:s2+s3] =	stream.indirect_vreg.scatter [tilespmem:s0], [sflag:$0x2], $0x80, v3, vm0, $0xb8;
	[tilespmem:$0xC980] =	vst v63  }
0x96: {  	v3 =	vld [tilespmem:$0xA0];
	_ =	sdelay $0x4  }
0x97: {  	v61 =	vshll.u32 v3, $0x1  }
0x98: {  	v3 =	vand.u32 $0x7, v3;
	v4 =	vand.u32 $0xFFFFFFF0, v61  }
0x99: {  	v3 =	vor.u32 v3, v4  }
0x9a: {  	v4 =	vperm.xlane v3, v0;
	_ =	sdelay $0x1  }
0x9b: {  	v3 =	vperm.xlane v3, v2;
	v4 =	vadd.s32 v1, v4;
	_ =	sdelay $0x1  }
0x9c: {  	v3 =	vadd.s32 v1, v3;
	_ =	sdelay $0x2  }
0x9d: {  	[hbm4b:s2+s3] =	stream.indirect_vreg.scatter [tilespmem:s10], [sflag:$0x2], $0x80, v4, vm0, $0xb8;
	[tilespmem:$0xC980] =	vst v63  }
0x9e: {  	_ = 	snop  }
0x9f: {  	[hbm4b:s2+s3] =	stream.indirect_vreg.scatter [tilespmem:s13], [sflag:$0x2], $0x80, v3, vm0, $0xb8;
	[tilespmem:$0xC980] =	vst v63  }
0xa0: {  	v3 =	vld [tilespmem:$0xB0];
	_ =	sdelay $0x4  }
0xa1: {  	v62 =	vshll.u32 v3, $0x1  }
0xa2: {  	v3 =	vand.u32 $0x7, v3;
	v4 =	vand.u32 $0xFFFFFFF0, v62  }
0xa3: {  	v3 =	vor.u32 v3, v4  }
0xa4: {  	v4 =	vperm.xlane v3, v0;
	_ =	sdelay $0x1  }
0xa5: {  	v3 =	vperm.xlane v3, v2;
	v4 =	vadd.s32 v1, v4;
	_ =	sdelay $0x1  }
0xa6: {  	v3 =	vadd.s32 v1, v3;
	_ =	sdelay $0x2  }
0xa7: {  	[hbm4b:s2+s3] =	stream.indirect_vreg.scatter [tilespmem:s14], [sflag:$0x2], $0x80, v4, vm0, $0xb8;
	[tilespmem:$0xC980] =	vst v63  }
0xa8: {  	_ = 	snop  }
0xa9: {  	[hbm4b:s2+s3] =	stream.indirect_vreg.scatter [tilespmem:s15], [sflag:$0x2], $0x80, v3, vm0, $0xb8;
	[tilespmem:$0xC980] =	vst v63  }
0xaa: {  	v3 =	vld [tilespmem:$0xC0];
	_ =	sdelay $0x4  }
0xab: {  	v63 =	vshll.u32 v3, $0x1  }
0xac: {  	v3 =	vand.u32 $0x7, v3;
	v4 =	vand.u32 $0xFFFFFFF0, v63  }
0xad: {  	v3 =	vor.u32 v3, v4  }
0xae: {  	v4 =	vperm.xlane v3, v0;
	_ =	sdelay $0x1  }
0xaf: {  	v3 =	vperm.xlane v3, v2;
	v4 =	vadd.s32 v1, v4;
	_ =	sdelay $0x1  }
0xb0: {  	v3 =	vadd.s32 v1, v3;
	_ =	sdelay $0x2  }
0xb1: {  	[hbm4b:s2+s3] =	stream.indirect_vreg.scatter [tilespmem:s16], [sflag:$0x2], $0x80, v4, vm0, $0xb8;
	[tilespmem:$0xC980] =	vst v63  }
0xb2: {  	_ = 	snop  }
0xb3: {  	[hbm4b:s2+s3] =	stream.indirect_vreg.scatter [tilespmem:s18], [sflag:$0x2], $0x80, v3, vm0, $0xb8;
	[tilespmem:$0xC980] =	vst v63  }
0xb4: {  	_ =	swait.ge [sflag:s17], $0x5000  }
.Ltmp3:
0xb5: {  	[sflag:s17] =	ssyncset.done $0x0;
	(pc) =	sbr.rel .LBB2_4-.Ltmp3, $4  }
0xb6: {  	[sflag:s17] =	ssyncadd.s32 $0xFFFFB000  }
0xb7: {  	_ =	swait.ge [sflag:s17], $0x5000  }
0xb8: {  	[sflag:s17] =	ssyncset.done $0x0  }
0xb9: {  	[sflag:s17] =	ssyncadd.s32 $0xFFFFB000  }
.LBB2_5:
0xba: {  	_ =	sfence.sel $0x180000  }
0xbb: {  	[bflag:$0x0] =	sbarrier.arrive $0xFFFF  }
0xbc: {  	_ =	strace $0x90000047  }
0xbd: {  	s0 =	stileid.u32;
	[bflag:$0x2] =	sbarrier.arrive $0xFFFF  }
0xbe: {  	p0 =	sne.s32 s0, $0x0;
	s0 =	rddreg [dreg:$0x3]  }
0xbf: {  	s0 =	sadd.s32 @!p0 $0x100000, s0  }
0xc0: {  	[sflag:s0] =	ssyncadd.tile.s32 @!p0 $0x1;
	_ =	shalt  }
.Lfunc_end2:
_tile_overlayer_lowered:
.L_overlay_start_2:
0xc1: {  	(tag) =	ssettag $0x2  }
0xc2: {  	s0 =	rddreg [dreg:$0x0];
	s2 =	stileid.u32  }
0xc3: {  	s1 =	rddreg [dreg:$0x1];
	p0 =	sne.s32 s2, $0x0  }
0xc4: {  	s3 =	rddreg [dreg:$0x2];
	[bflag:$0x3] =	sbarrier.arrive $0xFFFF;
	s2 =	simm.s32 @!p0 $0x1C03  }
0xc5: {  	[timem:s3], [sflag:s2] =	dma.local @!p0 [hbm:s0], s1  }
0xc6: {  	s0 =	simm.s32 @!p0 $0x3  }
0xc7: {  	_ =	swait.ge @!p0 [sflag:s0], s1  }
0xc8: {  	s1 =	ssub.s32 @!p0 $0x0, s1;
	[sflag:s0] =	ssyncset.done @!p0 $0x0  }
0xc9: {  	[sflag:s0] =	ssyncadd.s32 @!p0 s1  }
0xca: {  	[bflag:$0x3] =	sbarrier.arrive $0xFFFF  }
0xcb: {  	_ =	shalt  }

</sc_bundles>
